<compile_context>
chip_gen: v7x
topology: tpu7x:2x2x1
jax: 0.10.2.dev20260603
libtpu: 0.0.44.dev20260713+nightly
codegen_flags: <defaults>
</compile_context>

<pallas_src>
import functools

import jax
import jax.numpy as jnp
from jax import lax
from jax.experimental import pallas as pl
from jax.experimental.pallas import tpu as pltpu
from jax.experimental.pallas import tpu_sc as plsc

_NC = 2
_NS = 16
_NW = _NC * _NS
_K = 80


def _lse_body(table_ref, lse_ref):
    x = table_ref[...]
    m = jnp.max(x, axis=1)
    s = jnp.sum(jnp.exp(x - m[:, None]), axis=1)
    lse_ref[...] = m + jnp.log(s)


def _row_lse(table):
    v = table.shape[0]
    return pl.pallas_call(
        _lse_body,
        out_shape=jax.ShapeDtypeStruct((v,), jnp.float32),
    )(table)


def _make_sc_gather(n, v, c):
    rows_per_w = n // _NW
    n_chunks = rows_per_w // _K
    mesh = plsc.VectorSubcoreMesh(core_axis_name="c", subcore_axis_name="s")

    @functools.partial(
        pl.kernel,
        out_type=[
            jax.ShapeDtypeStruct((n, c), jnp.float32),
            jax.ShapeDtypeStruct((_NW, 16), jnp.float32),
        ],
        mesh=mesh,
        compiler_params=pltpu.CompilerParams(use_tc_tiling_on_sc=False,
                                             needs_layout_passes=False),
        scratch_types=[
            pltpu.VMEM((rows_per_w,), jnp.int32),
            pltpu.VMEM((rows_per_w,), jnp.int32),
            pltpu.VMEM((v,), jnp.float32),
            pltpu.VMEM((_K, c), jnp.float32),
            pltpu.VMEM((16,), jnp.float32),
            pltpu.SemaphoreType.DMA,
        ],
    )
    def sc_kernel(table_hbm, idx_hbm, tgt_hbm, lse_hbm, out_hbm, part_hbm,
                  idx_v, tgt_v, lse_v, rows_v, acc_v, sem):
        wid = lax.axis_index("s") * _NC + lax.axis_index("c")
        base = wid * rows_per_w
        pltpu.sync_copy(idx_hbm.at[pl.ds(base, rows_per_w)], idx_v)
        pltpu.sync_copy(tgt_hbm.at[pl.ds(base, rows_per_w)], tgt_v)
        pltpu.sync_copy(lse_hbm, lse_v)
        iota16 = lax.iota(jnp.int32, 16)

        def chunk_body(ci, acc):
            off = ci * _K
            pltpu.async_copy(table_hbm.at[idx_v.at[pl.ds(off, _K)]],
                             rows_v, sem).wait()
            pltpu.sync_copy(rows_v, out_hbm.at[pl.ds(base + off, _K)])
            for j in range(_K // 16):
                rloc = iota16 + j * 16
                tg = tgt_v[pl.ds(off + j * 16, 16)]
                iv = idx_v[pl.ds(off + j * 16, 16)]
                tv = plsc.load_gather(rows_v, [rloc, tg])
                lv = plsc.load_gather(lse_v, [iv])
                acc = acc + (lv - tv)
            return acc

        acc = lax.fori_loop(0, n_chunks, chunk_body,
                            jnp.zeros((16,), jnp.float32))
        acc_v[...] = acc
        pltpu.sync_copy(acc_v, part_hbm.at[wid])

    return sc_kernel


def kernel(idx, targets, table):
    b, t = idx.shape
    v, c = table.shape
    n = b * t
    idx_f = idx.reshape(n).astype(jnp.int32)
    tgt_f = targets.reshape(n).astype(jnp.int32)
    row_lse = _row_lse(table)
    logits_flat, partials = _make_sc_gather(n, v, c)(
        table, idx_f, tgt_f, row_lse)
    loss = jnp.sum(partials) / n
    return (logits_flat, loss)

# --- scband reference (transcript-rebuilt; emitter-appended) ---
"""Pipeline reference for scband-bigram-language-model-747324309720 (READ-ONLY COPY).

The authoritative reference and input builder live on the scoring server;
editing this copy changes nothing except your own understanding.
"""

import jax, jax.numpy as jnp
import numpy as np

VOCAB = 1000
B, T = 1024, 200

def setup_inputs(seed: int = 0) -> dict:
    key = jax.random.key(seed)
    k1, k2, k3 = jax.random.split(key, 3)
    idx = jax.random.randint(k1, (B, T), 0, VOCAB)
    targets = jax.random.randint(k2, (B, T), 0, VOCAB)
    # nn.Embedding(vocab_size, vocab_size) weight table
    table = jax.random.normal(k3, (VOCAB, VOCAB), dtype=jnp.float32)
    return {"idx": idx, "targets": targets, "table": table}

def reference(idx, targets, table):
    # logits = self.token_embedding_table(idx)  -> gather rows
    logits = jnp.take(table, idx, axis=0)  # [B, T, C]
    Bn, Tn, C = logits.shape
    logits_flat = logits.reshape(Bn * Tn, C)
    targets_flat = targets.reshape(Bn * Tn)
    # F.cross_entropy(logits, targets) with mean reduction
    lse = jax.nn.logsumexp(logits_flat, axis=-1)
    tgt_logit = jnp.take_along_axis(logits_flat, targets_flat[:, None], axis=-1)[:, 0]
    loss = jnp.mean(lse - tgt_logit)
    return (logits_flat, loss)

if __name__ == "__main__":
    import jax
    _d = setup_inputs()
    print(jax.jit(kernel)(*tuple(_d.values())))

</pallas_src>

<mosaic_0001>
#map = affine_map<(d0, d1) -> (0, 0)>
#map1 = affine_map<(d0, d1) -> (0)>
module attributes {stable_mosaic.version = 14 : i64} {
  func.func @sc_kernel(%arg0: i32, %arg1: i32, %arg2: memref<1000x1000xf32, #tpu.memory_space<hbm>>, %arg3: memref<204800xi32, #tpu.memory_space<hbm>>, %arg4: memref<204800xi32, #tpu.memory_space<hbm>>, %arg5: memref<1000xf32, #tpu.memory_space<hbm>>, %arg6: memref<204800x1000xf32, #tpu.memory_space<hbm>>, %arg7: memref<32x16xf32, #tpu.memory_space<hbm>>, %arg8: memref<6400xi32, #tpu.memory_space<vmem>>, %arg9: memref<6400xi32, #tpu.memory_space<vmem>>, %arg10: memref<1000xf32, #tpu.memory_space<vmem>>, %arg11: memref<80x1000xf32, #tpu.memory_space<vmem>>, %arg12: memref<16xf32, #tpu.memory_space<vmem>>, %arg13: memref<!tpu.dma_semaphore, #tpu.memory_space<semaphore_mem>>) attributes {dimension_semantics = [#tpu.dimension_semantics<core_parallel>, #tpu.dimension_semantics<subcore_parallel>], iteration_bounds = array<i64: 2, 16>, scalar_prefetch = 0 : i64, scratch_operands = 6 : i64, tpu.core_type = #tpu.core_type<sc_vector_subcore>, window_params = [{transform_indices = #map}, {transform_indices = #map1}, {transform_indices = #map1}, {transform_indices = #map1}, {transform_indices = #map}, {transform_indices = #map}]} {
    %mul3A = arith.constant 2 : i32
    %mul3A_0 = arith.muli %arg1, %mul3A : i32
    %add3A = arith.addi %mul3A_0, %arg0 : i32
    %mul3A_1 = arith.constant 6400 : i32
    %mul3A_2 = arith.muli %add3A, %mul3A_1 : i32
    "tpu.region"() ({
      %run_scoped3A = tpu.sem_alloc : memref<!tpu.dma_semaphore, #tpu.memory_space<semaphore_mem>>
      %dma_start3A = tpu.memref_slice %arg3[%mul3A_2] : memref<204800xi32, #tpu.memory_space<hbm>> -> memref<6400xi32, #tpu.memory_space<hbm>>
      %dma_start3A_10 = tpu.memref_slice %arg3[%mul3A_2] : memref<204800xi32, #tpu.memory_space<hbm>> -> memref<6400xi32, #tpu.memory_space<hbm>>
      tpu.enqueue_dma source(%dma_start3A_10 : memref<6400xi32, #tpu.memory_space<hbm>>) target(%arg8 : memref<6400xi32, #tpu.memory_space<vmem>>) target_semaphore(%run_scoped3A : memref<!tpu.dma_semaphore, #tpu.memory_space<semaphore_mem>>)
      %dma_wait3A = tpu.memref_slice %arg3[%mul3A_2] : memref<204800xi32, #tpu.memory_space<hbm>> -> memref<6400xi32, #tpu.memory_space<hbm>>
      %dma_wait3A_11 = tpu.memref_slice %arg3[%mul3A_2] : memref<204800xi32, #tpu.memory_space<hbm>> -> memref<6400xi32, #tpu.memory_space<hbm>>
      tpu.wait_dma2 semaphore(%run_scoped3A : memref<!tpu.dma_semaphore, #tpu.memory_space<semaphore_mem>>) src(%dma_wait3A_11 : memref<6400xi32, #tpu.memory_space<hbm>>) dst(%arg8 : memref<6400xi32, #tpu.memory_space<vmem>>)
      tpu.yield
    }) : () -> ()
    "tpu.region"() ({
      %run_scoped3A = tpu.sem_alloc : memref<!tpu.dma_semaphore, #tpu.memory_space<semaphore_mem>>
      %dma_start3A = tpu.memref_slice %arg4[%mul3A_2] : memref<204800xi32, #tpu.memory_space<hbm>> -> memref<6400xi32, #tpu.memory_space<hbm>>
      %dma_start3A_10 = tpu.memref_slice %arg4[%mul3A_2] : memref<204800xi32, #tpu.memory_space<hbm>> -> memref<6400xi32, #tpu.memory_space<hbm>>
      tpu.enqueue_dma source(%dma_start3A_10 : memref<6400xi32, #tpu.memory_space<hbm>>) target(%arg9 : memref<6400xi32, #tpu.memory_space<vmem>>) target_semaphore(%run_scoped3A : memref<!tpu.dma_semaphore, #tpu.memory_space<semaphore_mem>>)
      %dma_wait3A = tpu.memref_slice %arg4[%mul3A_2] : memref<204800xi32, #tpu.memory_space<hbm>> -> memref<6400xi32, #tpu.memory_space<hbm>>
      %dma_wait3A_11 = tpu.memref_slice %arg4[%mul3A_2] : memref<204800xi32, #tpu.memory_space<hbm>> -> memref<6400xi32, #tpu.memory_space<hbm>>
      tpu.wait_dma2 semaphore(%run_scoped3A : memref<!tpu.dma_semaphore, #tpu.memory_space<semaphore_mem>>) src(%dma_wait3A_11 : memref<6400xi32, #tpu.memory_space<hbm>>) dst(%arg9 : memref<6400xi32, #tpu.memory_space<vmem>>)
      tpu.yield
    }) : () -> ()
    "tpu.region"() ({
      %run_scoped3A = tpu.sem_alloc : memref<!tpu.dma_semaphore, #tpu.memory_space<semaphore_mem>>
      tpu.enqueue_dma source(%arg5 : memref<1000xf32, #tpu.memory_space<hbm>>) target(%arg10 : memref<1000xf32, #tpu.memory_space<vmem>>) target_semaphore(%run_scoped3A : memref<!tpu.dma_semaphore, #tpu.memory_space<semaphore_mem>>)
      tpu.wait_dma2 semaphore(%run_scoped3A : memref<!tpu.dma_semaphore, #tpu.memory_space<semaphore_mem>>) src(%arg5 : memref<1000xf32, #tpu.memory_space<hbm>>) dst(%arg10 : memref<1000xf32, #tpu.memory_space<vmem>>)
      tpu.yield
    }) : () -> ()
    %iota3A = tpu.iota {dimensions = array<i32: 0>} : vector<16xi32>
    %broadcast_in_dim3A = arith.constant 0.000000e+00 : f32
    %broadcast_in_dim3A_3 = vector.broadcast %broadcast_in_dim3A : f32 to vector<16xf32>
    %scan3A = arith.constant 0 : i32
    %scan3A_4 = arith.constant 80 : i32
    %scan3A_5 = arith.addi %scan3A, %scan3A_4 : i32
    %scan3A_6 = arith.constant 1 : i32
    %scan3A_7 = scf.for %scan3A_10 = %scan3A to %scan3A_5 step %scan3A_6 iter_args(%scan3A_11 = %broadcast_in_dim3A_3) -> (vector<16xf32>)  : i32 {
      %mul3A_12 = arith.constant 80 : i32
      %mul3A_13 = arith.muli %scan3A_10, %mul3A_12 : i32
      %dma_start3A = tpu.memref_slice %arg8[%mul3A_13] : memref<6400xi32, #tpu.memory_space<vmem>> -> memref<80xi32, #tpu.memory_space<vmem>>
      %dma_start3A_14 = arith.constant 0 : i32
      %dma_start3A_15 = arith.constant 0 : i32
      %dma_start3A_16 = tpu.memref_slice %arg2[%dma_start3A_14, %dma_start3A_15] : memref<1000x1000xf32, #tpu.memory_space<hbm>> -> memref<1000x1000xf32, #tpu.memory_space<hbm>>
      tpu.enqueue_indirect_dma source(%dma_start3A_16 : memref<1000x1000xf32, #tpu.memory_space<hbm>>) target(%arg11 : memref<80x1000xf32, #tpu.memory_space<vmem>>) offsets(%dma_start3A : memref<80xi32, #tpu.memory_space<vmem>>) semaphore(%arg13 : memref<!tpu.dma_semaphore, #tpu.memory_space<semaphore_mem>>)
      %dma_wait3A = tpu.memref_slice %arg8[%mul3A_13] : memref<6400xi32, #tpu.memory_space<vmem>> -> memref<80xi32, #tpu.memory_space<vmem>>
      %dma_wait3A_17 = arith.constant 0 : i32
      %dma_wait3A_18 = arith.constant 0 : i32
      %dma_wait3A_19 = tpu.memref_slice %arg2[%dma_wait3A_17, %dma_wait3A_18] : memref<1000x1000xf32, #tpu.memory_space<hbm>> -> memref<1000x1000xf32, #tpu.memory_space<hbm>>
      tpu.wait_indirect_dma semaphore(%arg13 : memref<!tpu.dma_semaphore, #tpu.memory_space<semaphore_mem>>) src(%dma_wait3A_19 : memref<1000x1000xf32, #tpu.memory_space<hbm>>) dst(%arg11 : memref<80x1000xf32, #tpu.memory_space<vmem>>)
      %add3A_20 = arith.addi %mul3A_2, %mul3A_13 : i32
      "tpu.region"() ({
        %run_scoped3A = tpu.sem_alloc : memref<!tpu.dma_semaphore, #tpu.memory_space<semaphore_mem>>
        %dma_start3A_93 = arith.constant 0 : i32
        %dma_start3A_94 = tpu.memref_slice %arg6[%add3A_20, %dma_start3A_93] : memref<204800x1000xf32, #tpu.memory_space<hbm>> -> memref<80x1000xf32, #tpu.memory_space<hbm>>
        %dma_start3A_95 = arith.constant 0 : i32
        %dma_start3A_96 = tpu.memref_slice %arg6[%add3A_20, %dma_start3A_95] : memref<204800x1000xf32, #tpu.memory_space<hbm>> -> memref<80x1000xf32, #tpu.memory_space<hbm>>
        tpu.enqueue_dma source(%arg11 : memref<80x1000xf32, #tpu.memory_space<vmem>>) target(%dma_start3A_96 : memref<80x1000xf32, #tpu.memory_space<hbm>>) target_semaphore(%run_scoped3A : memref<!tpu.dma_semaphore, #tpu.memory_space<semaphore_mem>>)
        %dma_wait3A_97 = arith.constant 0 : i32
        %dma_wait3A_98 = tpu.memref_slice %arg6[%add3A_20, %dma_wait3A_97] : memref<204800x1000xf32, #tpu.memory_space<hbm>> -> memref<80x1000xf32, #tpu.memory_space<hbm>>
        %dma_wait3A_99 = arith.constant 0 : i32
        %dma_wait3A_100 = tpu.memref_slice %arg6[%add3A_20, %dma_wait3A_99] : memref<204800x1000xf32, #tpu.memory_space<hbm>> -> memref<80x1000xf32, #tpu.memory_space<hbm>>
        tpu.wait_dma2 semaphore(%run_scoped3A : memref<!tpu.dma_semaphore, #tpu.memory_space<semaphore_mem>>) src(%arg11 : memref<80x1000xf32, #tpu.memory_space<vmem>>) dst(%dma_wait3A_100 : memref<80x1000xf32, #tpu.memory_space<hbm>>)
        tpu.yield
      }) : () -> ()
      %add3A_21 = arith.constant 0 : i32
      %add3A_22 = vector.broadcast %add3A_21 : i32 to vector<16xi32>
      %add3A_23 = arith.addi %iota3A, %add3A_22 : vector<16xi32>
      %add3A_24 = arith.constant 0 : i32
      %add3A_25 = arith.addi %mul3A_13, %add3A_24 : i32
      %get3A = arith.index_cast %add3A_25 : i32 to index
      %get3A_26 = tpu.vector_load %arg9[%get3A] {strides = array<i32>} : memref<6400xi32, #tpu.memory_space<vmem>>, vector<16xi32>,
      %add3A_27 = arith.constant 0 : i32
      %add3A_28 = arith.addi %mul3A_13, %add3A_27 : i32
      %get3A_29 = arith.index_cast %add3A_28 : i32 to index
      %get3A_30 = tpu.vector_load %arg8[%get3A_29] {strides = array<i32>} : memref<6400xi32, #tpu.memory_space<vmem>>, vector<16xi32>,
      %gather3A = tpu.vector_load_idx %arg11[%add3A_23, %get3A_26] : memref<80x1000xf32, #tpu.memory_space<vmem>>[vector<16xi32>, vector<16xi32>], vector<16xf32>,
      %gather3A_31 = tpu.vector_load_idx %arg10[%get3A_30] : memref<1000xf32, #tpu.memory_space<vmem>>[vector<16xi32>], vector<16xf32>,
      %sub3A = arith.subf %gather3A_31, %gather3A : vector<16xf32>
      %add3A_32 = arith.addf %scan3A_11, %sub3A : vector<16xf32>
      %add3A_33 = arith.constant 16 : i32
      %add3A_34 = vector.broadcast %add3A_33 : i32 to vector<16xi32>
      %add3A_35 = arith.addi %iota3A, %add3A_34 : vector<16xi32>
      %add3A_36 = arith.constant 16 : i32
      %add3A_37 = arith.addi %mul3A_13, %add3A_36 : i32
      %get3A_38 = arith.index_cast %add3A_37 : i32 to index
      %get3A_39 = tpu.vector_load %arg9[%get3A_38] {strides = array<i32>} : memref<6400xi32, #tpu.memory_space<vmem>>, vector<16xi32>,
      %add3A_40 = arith.constant 16 : i32
      %add3A_41 = arith.addi %mul3A_13, %add3A_40 : i32
      %get3A_42 = arith.index_cast %add3A_41 : i32 to index
      %get3A_43 = tpu.vector_load %arg8[%get3A_42] {strides = array<i32>} : memref<6400xi32, #tpu.memory_space<vmem>>, vector<16xi32>,
      %gather3A_44 = tpu.vector_load_idx %arg11[%add3A_35, %get3A_39] : memref<80x1000xf32, #tpu.memory_space<vmem>>[vector<16xi32>, vector<16xi32>], vector<16xf32>,
      %gather3A_45 = tpu.vector_load_idx %arg10[%get3A_43] : memref<1000xf32, #tpu.memory_space<vmem>>[vector<16xi32>], vector<16xf32>,
      %sub3A_46 = arith.subf %gather3A_45, %gather3A_44 : vector<16xf32>
      %add3A_47 = arith.addf %add3A_32, %sub3A_46 : vector<16xf32>
      %add3A_48 = arith.constant 32 : i32
      %add3A_49 = vector.broadcast %add3A_48 : i32 to vector<16xi32>
      %add3A_50 = arith.addi %iota3A, %add3A_49 : vector<16xi32>
      %add3A_51 = arith.constant 32 : i32
      %add3A_52 = arith.addi %mul3A_13, %add3A_51 : i32
      %get3A_53 = arith.index_cast %add3A_52 : i32 to index
      %get3A_54 = tpu.vector_load %arg9[%get3A_53] {strides = array<i32>} : memref<6400xi32, #tpu.memory_space<vmem>>, vector<16xi32>,
      %add3A_55 = arith.constant 32 : i32
      %add3A_56 = arith.addi %mul3A_13, %add3A_55 : i32
      %get3A_57 = arith.index_cast %add3A_56 : i32 to index
      %get3A_58 = tpu.vector_load %arg8[%get3A_57] {strides = array<i32>} : memref<6400xi32, #tpu.memory_space<vmem>>, vector<16xi32>,
      %gather3A_59 = tpu.vector_load_idx %arg11[%add3A_50, %get3A_54] : memref<80x1000xf32, #tpu.memory_space<vmem>>[vector<16xi32>, vector<16xi32>], vector<16xf32>,
      %gather3A_60 = tpu.vector_load_idx %arg10[%get3A_58] : memref<1000xf32, #tpu.memory_space<vmem>>[vector<16xi32>], vector<16xf32>,
      %sub3A_61 = arith.subf %gather3A_60, %gather3A_59 : vector<16xf32>
      %add3A_62 = arith.addf %add3A_47, %sub3A_61 : vector<16xf32>
      %add3A_63 = arith.constant 48 : i32
      %add3A_64 = vector.broadcast %add3A_63 : i32 to vector<16xi32>
      %add3A_65 = arith.addi %iota3A, %add3A_64 : vector<16xi32>
      %add3A_66 = arith.constant 48 : i32
      %add3A_67 = arith.addi %mul3A_13, %add3A_66 : i32
      %get3A_68 = arith.index_cast %add3A_67 : i32 to index
      %get3A_69 = tpu.vector_load %arg9[%get3A_68] {strides = array<i32>} : memref<6400xi32, #tpu.memory_space<vmem>>, vector<16xi32>,
      %add3A_70 = arith.constant 48 : i32
      %add3A_71 = arith.addi %mul3A_13, %add3A_70 : i32
      %get3A_72 = arith.index_cast %add3A_71 : i32 to index
      %get3A_73 = tpu.vector_load %arg8[%get3A_72] {strides = array<i32>} : memref<6400xi32, #tpu.memory_space<vmem>>, vector<16xi32>,
      %gather3A_74 = tpu.vector_load_idx %arg11[%add3A_65, %get3A_69] : memref<80x1000xf32, #tpu.memory_space<vmem>>[vector<16xi32>, vector<16xi32>], vector<16xf32>,
      %gather3A_75 = tpu.vector_load_idx %arg10[%get3A_73] : memref<1000xf32, #tpu.memory_space<vmem>>[vector<16xi32>], vector<16xf32>,
      %sub3A_76 = arith.subf %gather3A_75, %gather3A_74 : vector<16xf32>
      %add3A_77 = arith.addf %add3A_62, %sub3A_76 : vector<16xf32>
      %add3A_78 = arith.constant 64 : i32
      %add3A_79 = vector.broadcast %add3A_78 : i32 to vector<16xi32>
      %add3A_80 = arith.addi %iota3A, %add3A_79 : vector<16xi32>
      %add3A_81 = arith.constant 64 : i32
      %add3A_82 = arith.addi %mul3A_13, %add3A_81 : i32
      %get3A_83 = arith.index_cast %add3A_82 : i32 to index
      %get3A_84 = tpu.vector_load %arg9[%get3A_83] {strides = array<i32>} : memref<6400xi32, #tpu.memory_space<vmem>>, vector<16xi32>,
      %add3A_85 = arith.constant 64 : i32
      %add3A_86 = arith.addi %mul3A_13, %add3A_85 : i32
      %get3A_87 = arith.index_cast %add3A_86 : i32 to index
      %get3A_88 = tpu.vector_load %arg8[%get3A_87] {strides = array<i32>} : memref<6400xi32, #tpu.memory_space<vmem>>, vector<16xi32>,
      %gather3A_89 = tpu.vector_load_idx %arg11[%add3A_80, %get3A_84] : memref<80x1000xf32, #tpu.memory_space<vmem>>[vector<16xi32>, vector<16xi32>], vector<16xf32>,
      %gather3A_90 = tpu.vector_load_idx %arg10[%get3A_88] : memref<1000xf32, #tpu.memory_space<vmem>>[vector<16xi32>], vector<16xf32>,
      %sub3A_91 = arith.subf %gather3A_90, %gather3A_89 : vector<16xf32>
      %add3A_92 = arith.addf %add3A_77, %sub3A_91 : vector<16xf32>
      scf.yield %add3A_92 : vector<16xf32>
    }
    %scan3A_8 = arith.constant 80 : i32
    %swap3A = arith.constant 0 : index
    %swap3A_9 = tpu.vector_load %arg12[%swap3A] {strides = array<i32>} : memref<16xf32, #tpu.memory_space<vmem>>, vector<16xf32>,
    tpu.vector_store %arg12[%swap3A], %scan3A_7 {strides = array<i32>} : memref<16xf32, #tpu.memory_space<vmem>>, vector<16xf32>,
    "tpu.region"() ({
      %run_scoped3A = tpu.sem_alloc : memref<!tpu.dma_semaphore, #tpu.memory_space<semaphore_mem>>
      %dma_start3A = arith.constant 0 : i32
      %dma_start3A_10 = tpu.memref_slice %arg7[%add3A, %dma_start3A] : memref<32x16xf32, #tpu.memory_space<hbm>> -> memref<1x16xf32, #tpu.memory_space<hbm>>
      %dma_start3A_11 = tpu.memref_squeeze %dma_start3A_10 : memref<1x16xf32, #tpu.memory_space<hbm>> -> memref<16xf32, #tpu.memory_space<hbm>>
      %dma_start3A_12 = arith.constant 0 : i32
      %dma_start3A_13 = tpu.memref_slice %arg7[%add3A, %dma_start3A_12] : memref<32x16xf32, #tpu.memory_space<hbm>> -> memref<1x16xf32, #tpu.memory_space<hbm>>
      %dma_start3A_14 = tpu.memref_squeeze %dma_start3A_13 : memref<1x16xf32, #tpu.memory_space<hbm>> -> memref<16xf32, #tpu.memory_space<hbm>>
      tpu.enqueue_dma source(%arg12 : memref<16xf32, #tpu.memory_space<vmem>>) target(%dma_start3A_14 : memref<16xf32, #tpu.memory_space<hbm>>) target_semaphore(%run_scoped3A : memref<!tpu.dma_semaphore, #tpu.memory_space<semaphore_mem>>)
      %dma_wait3A = arith.constant 0 : i32
      %dma_wait3A_15 = tpu.memref_slice %arg7[%add3A, %dma_wait3A] : memref<32x16xf32, #tpu.memory_space<hbm>> -> memref<1x16xf32, #tpu.memory_space<hbm>>
      %dma_wait3A_16 = tpu.memref_squeeze %dma_wait3A_15 : memref<1x16xf32, #tpu.memory_space<hbm>> -> memref<16xf32, #tpu.memory_space<hbm>>
      %dma_wait3A_17 = arith.constant 0 : i32
      %dma_wait3A_18 = tpu.memref_slice %arg7[%add3A, %dma_wait3A_17] : memref<32x16xf32, #tpu.memory_space<hbm>> -> memref<1x16xf32, #tpu.memory_space<hbm>>
      %dma_wait3A_19 = tpu.memref_squeeze %dma_wait3A_18 : memref<1x16xf32, #tpu.memory_space<hbm>> -> memref<16xf32, #tpu.memory_space<hbm>>
      tpu.wait_dma2 semaphore(%run_scoped3A : memref<!tpu.dma_semaphore, #tpu.memory_space<semaphore_mem>>) src(%arg12 : memref<16xf32, #tpu.memory_space<vmem>>) dst(%dma_wait3A_19 : memref<16xf32, #tpu.memory_space<hbm>>)
      tpu.yield
    }) : () -> ()
    return
  }
}

module attributes {stable_mosaic.version = 14 : i64} {
  func.func @_lse_body(%arg0: memref<1000x1000xf32, #tpu.memory_space<vmem>>, %arg1: memref<1000xf32, #tpu.memory_space<vmem>>) attributes {dimension_semantics = [], scalar_prefetch = 0 : i64, scratch_operands = 0 : i64, tpu.core_type = #tpu.core_type<tc>} {
    %get3A = arith.constant 0 : index
    %get3A_0 = arith.constant 0 : index
    %get3A_1 = vector.load %arg0[%get3A, %get3A_0] : memref<1000x1000xf32, #tpu.memory_space<vmem>>, vector<1000x1000xf32>
    %reduce_max3A = arith.constant dense<0xFF800000> : vector<1000xf32>
    %reduce_max3A_2 = vector.multi_reduction <maximumf>, %get3A_1, %reduce_max3A [1] : vector<1000x1000xf32> to vector<1000xf32>
    %broadcast_in_dim3A = vector.shape_cast %reduce_max3A_2 : vector<1000xf32> to vector<1000x1xf32>
    %sub3A = vector.broadcast %broadcast_in_dim3A : vector<1000x1xf32> to vector<1000x1000xf32>
    %sub3A_3 = arith.subf %get3A_1, %sub3A : vector<1000x1000xf32>
    %exp3A = math.exp %sub3A_3 : vector<1000x1000xf32>
    %reduce_sum3A = arith.constant dense<0.000000e+00> : vector<1000xf32>
    %reduce_sum3A_4 = vector.multi_reduction <add>, %exp3A, %reduce_sum3A [1] : vector<1000x1000xf32> to vector<1000xf32>
    %log3A = math.log %reduce_sum3A_4 : vector<1000xf32>
    %add3A = arith.addf %reduce_max3A_2, %log3A : vector<1000xf32>
    %swap3A = arith.constant 0 : index
    %swap3A_5 = vector.load %arg1[%swap3A] : memref<1000xf32, #tpu.memory_space<vmem>>, vector<1000xf32>
    tpu.vector_store %arg1[%swap3A], %add3A {strides = array<i32>} : memref<1000xf32, #tpu.memory_space<vmem>>, vector<1000xf32>,
    return
  }
}

</mosaic_0001>

<sc_bundles>
// kernel: kernel.4.cloned.1.call-start
scs
__scs_entry_jumppad:
0x0: {  	(pc) =	sbr.rel $0x88, $3  }
0x1: {  	(tag) =	ssettag $0x0;
	lr =	simm.s32 $0x1  }
0x2: {  	[smem:$0x3F9E] =	sst lr;
	_ =	strace $0xD0000000  }
0x3: {  	_ = 	snop  }
0x4: {  	_ = 	snop  }
0x5: {  	_ = 	snop  }
0x6: {  	_ = 	snop  }
0x7: {  	_ = 	snop  }
__scs_overlays_trampoline_lowered:
0x8: {  	[smem:$0x3FAD] =	sst s0  }
0x9: {  	[smem:$0x3FAE] =	sst s1  }
0xa: {  	[smem:$0x3FAF] =	sst s2  }
0xb: {  	[smem:$0x3FB0] =	sst s3  }
0xc: {  	[smem:$0x3FB1] =	sst s4  }
0xd: {  	[smem:$0x3FB2] =	sst s5  }
0xe: {  	[smem:$0x3FB3] =	sst s6  }
0xf: {  	[smem:$0x3FB4] =	sst s7  }
0x10: {  	[smem:$0x3FB5] =	sst s8  }
0x11: {  	[smem:$0x3FB6] =	sst s9;
	s0 =	simm.s32 @!p0 $0x0  }
0x12: {  	s1 =	sld [smem:$0x3F9C];
	s0 =	simm.s32 @p0 $0x1  }
0x13: {  	[smem:$0x3FB7] =	sst s0;
	s0 =	simm.s32 @!p1 $0x0  }
0x14: {  	s2 =	sld [smem:$0x3F9B];
	s0 =	simm.s32 @p1 $0x1  }
0x15: {  	[smem:$0x3FB8] =	sst s0;
	s0 =	simm.s32 @!p2 $0x0  }
0x16: {  	s3 =	sld [smem:$0x3FDB];
	s0 =	simm.s32 @p2 $0x1  }
0x17: {  	s4 =	simm.s32 $0x1BF5;
	[smem:$0x3FBA] =	sst s0  }
0x18: {  	s0 =	sld [smem:$0x3F9D];
	_ =	swait.ge [sflag:s4], $0x0  }
0x19: {  	s7 =	sld [smem:$0x3F9E]  }
0x1a: {  	s8 =	sadd.s32 $0xFFFFE003, lr  }
0x1b: {  	s9 =	sadd.s32 $0xFFFFFEF7, lr;
	s5 =	simm.s32 $0xFFFFFFFF;
	p2 =	slt.u32 s8, $0xFFFFF086  }
0x1c: {  	p1 =	slt.u32 s9, $0xF7A;
	s5 =	simm.s32 @!p2 $0x0  }
0x1d: {  	s5 =	simm.s32 @p1 $0x1;
	p0 =	seq.s32 s7, s2  }
0x1e: {  	s7 =	smul.u32 @!p0 $0xF7A, s2;
	p2 =	seq.s32 @!p0 s5, $0x0  }
0x1f: {  	s9 =	smul.u32 $0xF7A, s1;
	s8 =	simm.s32 @!p0 $0x1BF5;
	p2 =	por !p2, p0  }
0x20: {  	[sflag:s8] =	ssyncset.s32 @!p0 $0xFFFFF086;
	s6 =	sadd.s32 @!p0 s3, s7;
	s7 =	simm.s32 @!p0 $0x108  }
0x21: {  	s3 =	sadd.s32 s3, s9;
	s6 =	sadd.s32 @!p0 $0x88, s6;
	s7 =	simm.s32 @p2 $0x1082  }
0x22: {  	[simem:s7], [sflag:s8] =	dma.local @!p0 [hbm:s6], $0xF7A  }
0x23: {  	s9 =	sor.u32 $0xD0000000, s2;
	s6 =	simm.s32 $0x108;
	_ =	swait.ge @!p0 [sflag:s8], $0x0  }
0x24: {  	s3 =	sadd.s32 $0x88, s3;
	s6 =	simm.s32 @!p1 $0x1082;
	[sflag:s4] =	ssyncset.s32 $0xFFFFF086  }
0x25: {  	[simem:s6], [sflag:s4] =	dma.local [hbm:s3], $0xF7A  }
0x26: {  	[smem:$0x3F9E] =	sst s1;
	(tag) =	ssettag s2;
	_ =	strace s9  }
0x27: {  	s1 =	sld [smem:$0x3FAE]  }
0x28: {  	s2 =	sld [smem:$0x3FAF]  }
0x29: {  	s4 =	sld [smem:$0x3FB1]  }
0x2a: {  	p0 =	seq.s32 s5, $0x0;
	s5 =	sld [smem:$0x3FB2]  }
0x2b: {  	s6 =	sld [smem:$0x3FB3]  }
0x2c: {  	s7 =	sld [smem:$0x3FB4]  }
0x2d: {  	s3 =	simm.s32 $0x108;
	s8 =	sld [smem:$0x3FB5]  }
0x2e: {  	s3 =	simm.s32 @!p0 $0x1082;
	s9 =	sld [smem:$0x3FB6]  }
0x2f: {  	lr =	sadd.s32 s0, s3;
	s0 =	sld [smem:$0x3FAD]  }
0x30: {  	s3 =	sld [smem:$0x3FB0]  }
0x31: {  	[smem:$0x3FB9] =	sst s10  }
0x32: {  	s10 =	sld [smem:$0x3FB7];
	_ =	sdelay $0x3  }
0x33: {  	p0 =	seq.s32 s10, $0x1;
	s10 =	sld [smem:$0x3FB9];
	_ =	sdelay $0x3  }
0x34: {  	[smem:$0x3FB9] =	sst s10  }
0x35: {  	s10 =	sld [smem:$0x3FB8];
	_ =	sdelay $0x3  }
0x36: {  	p1 =	seq.s32 s10, $0x1;
	s10 =	sld [smem:$0x3FB9];
	_ =	sdelay $0x3  }
0x37: {  	[smem:$0x3FB9] =	sst s10  }
0x38: {  	s10 =	sld [smem:$0x3FBA]  }
0x39: {  	_ = 	snop;
	(pc) =	sbr.ind lr, $3  }
0x3a: {  	_ = 	snop  }
0x3b: {  	_ = 	snop  }
0x3c: {  	p2 =	seq.s32 s10, $0x1;
	s10 =	sld [smem:$0x3FB9]  }
0x3d: {  	_ =	shalt  }
0x3e: {  	_ =	shalt  }
0x3f: {  	_ =	shalt  }
0x40: {  	_ =	shalt  }
0x41: {  	_ =	shalt  }
0x42: {  	_ =	shalt  }
0x43: {  	_ =	shalt  }
0x44: {  	_ =	shalt  }
0x45: {  	_ =	shalt  }
0x46: {  	_ =	shalt  }
0x47: {  	_ =	shalt  }
0x48: {  	_ =	shalt  }
0x49: {  	_ =	shalt  }
0x4a: {  	_ =	shalt  }
0x4b: {  	_ =	shalt  }
0x4c: {  	_ =	shalt  }
0x4d: {  	_ =	shalt  }
0x4e: {  	_ =	shalt  }
0x4f: {  	_ =	shalt  }
0x50: {  	_ =	shalt  }
0x51: {  	_ =	shalt  }
0x52: {  	_ =	shalt  }
0x53: {  	_ =	shalt  }
0x54: {  	_ =	shalt  }
0x55: {  	_ =	shalt  }
0x56: {  	_ =	shalt  }
0x57: {  	_ =	shalt  }
0x58: {  	_ =	shalt  }
0x59: {  	_ =	shalt  }
0x5a: {  	_ =	shalt  }
0x5b: {  	_ =	shalt  }
0x5c: {  	_ =	shalt  }
0x5d: {  	_ =	shalt  }
0x5e: {  	_ =	shalt  }
0x5f: {  	_ =	shalt  }
0x60: {  	_ =	shalt  }
0x61: {  	_ =	shalt  }
0x62: {  	_ =	shalt  }
0x63: {  	_ =	shalt  }
0x64: {  	_ =	shalt  }
0x65: {  	_ =	shalt  }
0x66: {  	_ =	shalt  }
0x67: {  	_ =	shalt  }
0x68: {  	_ =	shalt  }
0x69: {  	_ =	shalt  }
0x6a: {  	_ =	shalt  }
0x6b: {  	_ =	shalt  }
0x6c: {  	_ =	shalt  }
0x6d: {  	_ =	shalt  }
0x6e: {  	_ =	shalt  }
0x6f: {  	_ =	shalt  }
0x70: {  	_ =	shalt  }
0x71: {  	_ =	shalt  }
0x72: {  	_ =	shalt  }
0x73: {  	_ =	shalt  }
0x74: {  	_ =	shalt  }
0x75: {  	_ =	shalt  }
0x76: {  	_ =	shalt  }
0x77: {  	_ =	shalt  }
0x78: {  	_ =	shalt  }
0x79: {  	_ =	shalt  }
0x7a: {  	_ =	shalt  }
0x7b: {  	_ =	shalt  }
0x7c: {  	_ =	shalt  }
0x7d: {  	_ =	shalt  }
0x7e: {  	_ =	shalt  }
0x7f: {  	_ =	shalt  }
0x80: {  	_ =	shalt  }
0x81: {  	_ =	shalt  }
0x82: {  	_ =	shalt  }
0x83: {  	_ =	shalt  }
0x84: {  	_ =	shalt  }
0x85: {  	_ =	shalt  }
0x86: {  	_ =	shalt  }
0x87: {  	_ =	shalt  }
.Lfunc_end0:
.L_simem_size_0:
called_computation.1_lowered:
.L_overlay_start_0:
0x88: {  	s2 =	sld [smem:$0x3FD9]  }
0x89: {  	s3 =	sld [smem:$0x3FFE];
	_ =	sdelay $0x1  }
0x8a: {  	s1 =	srdreg.scid  }
0x8b: {  	s0 =	sand.u32 $0x1, s1  }
0x8c: {  	s14 =	sshll.u32 s0, $0xA;
	s2 =	sadd.s32 s3, s2  }
0x8d: {  	s2 =	sadd.s32 s2, s14  }
0x8e: {  	[smem:$0x3FC5] =	sst s2  }
0x8f: {  	_ = 	snop  }
0x90: {  	s2 =	sld [smem:$0x3FD0];
	_ =	sdelay $0x2  }
0x91: {  	s15 =	simm.s32 $0xA;
	s4 =	simm.s32 $0x10  }
0x92: {  	[smem:s4], [sflag:s15] =	dma.local [hbm:s2], $0x1  }
0x93: {  	_ =	swait.eq [sflag:s15], $0x1  }
0x94: {  	[sflag:s15] =	ssyncset.done $0x0  }
0x95: {  	[sflag:s15] =	ssyncadd.s32 $0xFFFFFFFF  }
0x96: {  	s16 =	sld [smem:$0x10];
	(tm) =	ssettm $0x1  }
0x97: {  	s17 =	sld [smem:$0x3FFB];
	_ =	sdelay $0x3  }
0x98: {  	_ =	strace s17  }
0x99: {  	s3 =	sld [smem:$0x3FFC];
	_ =	sdelay $0x3  }
0x9a: {  	_ =	strace s3  }
0x9b: {  	s3 =	sld [smem:$0x3FFD];
	_ =	sdelay $0x3  }
0x9c: {  	_ =	strace s3  }
0x9d: {  	_ =	strace $0x8FFFFFFF  }
0x9e: {  	s18 =	sld [smem:$0x3FDB];
	_ =	sdelay $0x1  }
0x9f: {  	s19 =	simm.s32 $_scs_section_size  }
0xa0: {  	s5 =	simm.s32 $_size__tile_overlayer_lowered;
	s6 =	simm.s32 $_tile_overlayer_lowered  }
0xa1: {  	s22 =	simm.s32 $0x1BFF;
	s21 =	sshll.u32 s6, $0x1;
	s3 =	sadd.s32 s19, s18  }
0xa2: {  	s7 =	simm.s32 $0x0;
	s20 =	sshll.u32 s5, $0x1;
	s5 =	sadd.s32 s21, s3  }
0xa3: {  	[timem:s7], [sflag:s22] =	dma.local [hbm:s5], s20  }
0xa4: {  	_ =	swait.ge [sflag:s22], s20  }
0xa5: {  	s4 =	ssub.s32 $0x0, s20;
	[sflag:s22] =	ssyncset.done $0x0  }
0xa6: {  	[sflag:s22] =	ssyncadd.s32 s4;
	_ =	sdelay $0x1  }
0xa7: {  	s23 =	simm.s32 $0x1B8B  }
0xa8: {  	_ =	swait.ge [sflag:s23], $0x1  }
0xa9: {  	[sflag:s23] =	ssyncset.done $0x0  }
0xaa: {  	s25 =	simm.s32 $0x1B8E;
	s24 =	sld [smem:$0x3FFE];
	[sflag:s23] =	ssyncadd.s32 $0xFFFFFFFF  }
0xab: {  	s26 =	simm.s32 $execute0_lowered;
	[smem:$0x3FD2] =	sst s25  }
0xac: {  	s5 =	sshll.u32 s26, $0x1;
	_ =	strace $0x80000046;
	[dreg:$0x1] =	wrdreg $0xFFFFFFFF  }
0xad: {  	s28 =	simm.s32 $_size_execute0_lowered;
	s3 =	sadd.s32 s3, s5;
	[dreg:$0x0] =	wrdreg $0x0  }
0xae: {  	s5 =	sshll.u32 s28, $0x1;
	[dreg:$0x2] =	wrdreg s3  }
0xaf: {  	[dreg:$0x3] =	wrdreg s5  }
0xb0: {  	[dreg:$0x4] =	wrdreg $0xC0  }
0xb1: {  	_ =	task [dreg:s7], $0x5FFFF  }
0xb2: {  	[dreg:$0x1] =	wrdreg $0xFFFFFFFF  }
0xb3: {  	[dreg:$0x0] =	wrdreg $0x60  }
0xb4: {  	[dreg:$0x2] =	wrdreg s24  }
0xb5: {  	[dreg:$0x3] =	wrdreg s16  }
0xb6: {  	[dreg:$0x4] =	wrdreg $0x9  }
0xb7: {  	_ =	task.clear_ibuf [dreg:s7], $0x5FFFF;
	_ =	strace $0x90000046  }
0xb8: {  	s29 =	simm.s32 $0x9;
	_ =	strace $0x80000048  }
0xb9: {  	_ =	swait.ge [sflag:s29], $0x1  }
0xba: {  	[sflag:s29] =	ssyncadd.s32 $0xFFFFFFFF  }
0xbb: {  	_ =	strace $0x90000048  }
0xbc: {  	_ =	sfence  }
0xbd: {  	s30 =	sld [smem:$0x0];
	_ =	sdelay $0x2  }
0xbe: {  	s31 =	sshll.u32 s1, $0xD;
	s1 =	sshrl.u32 s1, $0x2  }
0xbf: {  	s3 =	sand.u32 $0x4000, s31;
	s1 =	sadd.s32 s1, s30  }
0xc0: {  	s0 =	sor.u32 s3, s0;
	s1 =	sshll.u32 s1, $0x11  }
0xc1: {  	s0 =	sor.u32 s1, s0  }
0xc2: {  	s0 =	sadd.s32 $0x8F2B, s0  }
0xc3: {  	[sflag:s0] =	ssyncadd.remote.s32 $0x1  }
0xc4: {  	_ =	sfence.sel $0xFFFF  }
0xc5: {  	[dreg:$0x0] =	wrdreg $0xFFFFFFFF;
	(pc) =	sbr.abs _section_cstart, $3  }
0xc6: {  	[dreg:$0x1] =	wrdreg $0xFFFFFFFF  }
0xc7: {  	_ =	task.clear_ibuf [dreg:s7], $0x2FFFF;
	_ =	strace $0x9FFFFFFF  }
0xc8: {  	(tm) =	ssettm $0x7FFFFFFF  }
0xc9: {  	_ =	shalt  }
tec
execute0_lowered:
.L_overlay_start_1:
0x0: {  	(tag) =	ssettag $0x1  }
0x1: {  	s1 =	srdreg.scid;
	s5 =	rddreg [dreg:$0x0]  }
0x2: {  	s0 =	stileid.u32;
	s9 =	rddreg [dreg:$0x1]  }
0x3: {  	s2 =	simm.s32 $0x0;
	s14 =	simm.s32 $0x35E8;
	s15 =	simm.s32 $0x1  }
0x4: {  	s16 =	simm.s32 $0x16E68;
	s17 =	simm.s32 $0x0;
	s7 =	sand.u32 $0x1, s1  }
0x5: {  	s30 =	sshll.u32 s0, $0x1;
	s1 =	rddreg [dreg:$0x2];
	s31 =	smul.u32 $0x186A00, s0  }
0x6: {  	[smem:$0x7FF] =	sst s2;
	s6 =	sor.u32 s7, s30;
	s13 =	smul.u32 $0xC3500, s7  }
0x7: {  	_ =	strace $0x80000047;
	s10 =	ssub.s32 $0x2, s7;
	s3 =	smul.u32 $0x1900, s6  }
0x8: {  	s6 =	sshll.u32 s6, $0x1;
	s11 =	sshrl.u32 s10, $0x1;
	s9 =	sadd.s32 s31, s9  }
0x9: {  	v0 =	vlaneseq.u32;
	s12 =	sadd.s32 s6, s5;
	s10 =	ssub.s32 s10, s11;
	s9 =	sadd.s32 s13, s9  }
0xa: {  	v0 =	vmul.u32 $0x3E8, v0;
	s11 =	simm.s32 $0x1900;
	s13 =	simm.s32 $0x50;
	s4 =	sshrl.u32 s3, $0x3  }
0xb: {  	s3 =	sadd.s32 $0x1000, s5;
	s7 =	sadd.s32 $0x2C200, s12;
	s8 =	sadd.s32 s4, s5  }
0xc: {  	v1 =	vadd.s32 $0x3E80, v0;
	s12 =	simm.s32 $0x3200;
	s4 =	sadd.s32 $0xE00, s5;
	s5 =	sadd.s32 $0x1FA00, s8  }
0xd: {  	v2 =	vadd.s32 $0x7D00, v0;
	v3 =	vadd.s32 $0xBB80, v0;
	v4 =	vadd.s32 $0xFA00, v0;
	s6 =	sadd.s32 $0x25E00, s8;
	s8 =	smax.u32 s10, $0x1;
	s10 =	simm.s32 $0x2  }
.LBB2_1:
0xe: {  	[tilespmem:s2], [sflag:$0x2] =	stream.linear.gather [hbm4b:s5+s2], $0x1900, $0x38;
	[tilespmem:$0x16E78] =	vst v63  }
0xf: {  	_ =	swait.ge [sflag:s10], $0x1900  }
0x10: {  	[sflag:s10] =	ssyncset.done $0x0  }
0x11: {  	[sflag:s10] =	ssyncadd.s32 $0xFFFFE700  }
0x12: {  	[tilespmem:s11], [sflag:$0x2] =	stream.linear.gather [hbm4b:s6+s2], $0x1900, $0x38;
	[tilespmem:$0x16E78] =	vst v63  }
0x13: {  	_ =	swait.ge [sflag:s10], $0x1900  }
0x14: {  	[sflag:s10] =	ssyncset.done $0x0  }
0x15: {  	[sflag:s10] =	ssyncadd.s32 $0xFFFFE700  }
0x16: {  	[tilespmem:s12], [sflag:$0x2] =	stream.linear.gather [hbm4b:s4+s2], $0x3E8, $0x38;
	[tilespmem:$0x16E78] =	vst v63  }
0x17: {  	_ =	swait.ge [sflag:s10], $0x3E8  }
0x18: {  	[sflag:s10] =	ssyncset.done $0x0  }
0x19: {  	s18 =	simm.s32 $0x0;
	[sflag:s10] =	ssyncadd.s32 $0xFFFFFC18  }
0x1a: {  	[tilespmem:s14], [sflag:$0x1] =	stream.indirect.gather [hbm4b:s3+s13], $0x3E8, s18, s13, $0xb8;
	[tilespmem:$0x16E78] =	vst v63  }
0x1b: {  	_ =	swait.ge [sflag:s15], $0x13880  }
0x1c: {  	[sflag:s15] =	ssyncset.done $0x0  }
0x1d: {  	[sflag:s15] =	ssyncadd.s32 $0xFFFEC780  }
0x1e: {  	[hbm4b:s9+s2] =	stream.linear.scatter [tilespmem:s14], [sflag:$0x2], $0x13880, $0x38;
	[tilespmem:$0x16E78] =	vst v63  }
0x1f: {  	_ =	swait.ge [sflag:s10], $0x13880  }
0x20: {  	[sflag:s10] =	ssyncset.done $0x0  }
0x21: {  	[sflag:s10] =	ssyncadd.s32 $0xFFFEC780  }
0x22: {  	v5 =	vld [tilespmem:s18+$0x0]  }
0x23: {  	v7 =	vld [tilespmem:s18+$0x1910]  }
0x24: {  	v8 =	vld [tilespmem:s18+$0x10]  }
0x25: {  	v9 =	vld [tilespmem:s18+$0x1920]  }
0x26: {  	v10 =	vld [tilespmem:s18+$0x20]  }
0x27: {  	v12 =	vld [tilespmem:s18+$0x30]  }
0x28: {  	v14 =	vld [tilespmem:s18+$0x40]  }
0x29: {  	v6 =	vld [tilespmem:s18+$0x1900]  }
0x2a: {  	v11 =	vld [tilespmem:s18+$0x1930]  }
0x2b: {  	v13 =	vld [tilespmem:s18+$0x1940]  }
0x2c: {  	v7 =	vadd.s32 v1, v7;
	v5 =	vld.idx.msk [tilespmem:v5+s12+$0x0], $0xffff  }
0x2d: {  	v9 =	vadd.s32 v2, v9;
	v8 =	vld.idx.msk [tilespmem:v8+s12+$0x0], $0xffff  }
0x2e: {  	v6 =	vadd.s32 v0, v6;
	v10 =	vld.idx.msk [tilespmem:v10+s12+$0x0], $0xffff  }
0x2f: {  	v11 =	vadd.s32 v3, v11;
	v12 =	vld.idx.msk [tilespmem:v12+s12+$0x0], $0xffff  }
0x30: {  	v13 =	vadd.s32 v4, v13;
	v14 =	vld.idx.msk [tilespmem:v14+s12+$0x0], $0xffff  }
0x31: {  	v7 =	vld.idx.msk [tilespmem:v7+s14+$0x0], $0xffff  }
0x32: {  	v9 =	vld.idx.msk [tilespmem:v9+s14+$0x0], $0xffff  }
0x33: {  	v15 =	vld.idx.msk [tilespmem:v6+s14+$0x0], $0xffff  }
0x34: {  	s18 =	simm.s32 $0x50;
	v11 =	vld.idx.msk [tilespmem:v11+s14+$0x0], $0xffff  }
0x35: {  	v13 =	vld.idx.msk [tilespmem:v13+s14+$0x0], $0xffff;
	[tilespmem:s14], [sflag:$0x1] =	stream.indirect.gather [hbm4b:s3+s13], $0x3E8, s18, s13, $0xb8  }
0x36: {  	_ =	swait.ge [sflag:s15], $0x13880  }
0x37: {  	[sflag:s15] =	ssyncset.done $0x0  }
0x38: {  	s19 =	sadd.s32 $0x2710, s9;
	[sflag:s15] =	ssyncadd.s32 $0xFFFEC780;
	v6 =	vsub.f32 v8, v7;
	v8 =	vsub.f32 v5, v15  }
0x39: {  	v63 =	vimm.f32 $0.0e+00;
	[hbm4b:s19+s2] =	stream.linear.scatter [tilespmem:s14], [sflag:$0x2], $0x13880, $0x38;
	v7 =	vsub.f32 v10, v9;
	v5 =	vsub.f32 v12, v11;
	[tilespmem:$0x16E78] =	vst v63  }
0x3a: {  	s20 =	simm.s32 $0x280;
	_ =	swait.ge [sflag:s10], $0x13880;
	v9 =	vadd.f32 v8, v63;
	v8 =	vsub.f32 v14, v13  }
.LBB2_2:
0x3b: {  	p0 =	sne.s32 s20, $0x62C0  }
0x3c: {  	[sflag:s10] =	ssyncset.done $0x0;
	s21 =	smov.u32 s20;
	s20 =	sadd.s32 $0x140, s20  }
0x3d: {  	[sflag:s10] =	ssyncadd.s32 $0xFFFEC780;
	v6 =	vadd.f32 v6, v9  }
0x3e: {  	v9 =	vld [tilespmem:s18+$0x0]  }
0x3f: {  	v10 =	vld [tilespmem:s18+$0x1900];
	v6 =	vadd.f32 v7, v6  }
0x40: {  	v7 =	vld [tilespmem:s18+$0x1910]  }
0x41: {  	v11 =	vld [tilespmem:s18+$0x10];
	v5 =	vadd.f32 v5, v6  }
0x42: {  	v6 =	vld [tilespmem:s18+$0x1920]  }
0x43: {  	v12 =	vld [tilespmem:s18+$0x20];
	v8 =	vadd.f32 v8, v5  }
0x44: {  	v5 =	vadd.s32 v0, v10;
	v10 =	vld [tilespmem:s18+$0x1930]  }
0x45: {  	v7 =	vadd.s32 v1, v7;
	v13 =	vld [tilespmem:s18+$0x30]  }
0x46: {  	v14 =	vld [tilespmem:s18+$0x1940]  }
0x47: {  	v9 =	vld.idx.msk [tilespmem:v9+s12+$0x0], $0xffff;
	v6 =	vadd.s32 v2, v6  }
0x48: {  	v15 =	vld [tilespmem:s18+$0x40]  }
0x49: {  	v11 =	vld.idx.msk [tilespmem:v11+s12+$0x0], $0xffff;
	v10 =	vadd.s32 v3, v10  }
0x4a: {  	v7 =	vld.idx.msk [tilespmem:v7+s14+$0x0], $0xffff  }
0x4b: {  	v12 =	vld.idx.msk [tilespmem:v12+s12+$0x0], $0xffff;
	v14 =	vadd.s32 v4, v14  }
0x4c: {  	v16 =	vld.idx.msk [tilespmem:v6+s14+$0x0], $0xffff  }
0x4d: {  	v13 =	vld.idx.msk [tilespmem:v13+s12+$0x0], $0xffff  }
0x4e: {  	v10 =	vld.idx.msk [tilespmem:v10+s14+$0x0], $0xffff  }
0x4f: {  	v17 =	vld.idx.msk [tilespmem:v5+s14+$0x0], $0xffff  }
0x50: {  	v6 =	vsub.f32 v11, v7;
	v11 =	vld.idx.msk [tilespmem:v14+s14+$0x0], $0xffff  }
0x51: {  	s18 =	sshra.s32 s21, $0x2;
	v14 =	vld.idx.msk [tilespmem:v15+s12+$0x0], $0xffff  }
0x52: {  	v7 =	vsub.f32 v12, v16;
	[tilespmem:s14], [sflag:$0x1] =	stream.indirect.gather [hbm4b:s3+s13], $0x3E8, s18, s13, $0xb8;
	[tilespmem:$0x16E78] =	vst v63  }
.Ltmp0:
0x53: {  	_ =	swait.ge [sflag:s15], $0x13880;
	(pc) =	sbr.rel @p0 .LBB2_2-.Ltmp0, $4  }
0x54: {  	v5 =	vsub.f32 v13, v10;
	[sflag:s15] =	ssyncset.done $0x0  }
0x55: {  	s19 =	sadd.s32 $0x2710, s19;
	v9 =	vsub.f32 v9, v17;
	[sflag:s15] =	ssyncadd.s32 $0xFFFEC780  }
0x56: {  	[hbm4b:s19+s2] =	stream.linear.scatter [tilespmem:s14], [sflag:$0x2], $0x13880, $0x38;
	[tilespmem:$0x16E78] =	vst v63  }
0x57: {  	v9 =	vadd.f32 v9, v8;
	v8 =	vsub.f32 v14, v11;
	_ =	swait.ge [sflag:s10], $0x13880  }
0x58: {  	[sflag:s10] =	ssyncset.done $0x0  }
0x59: {  	[sflag:s10] =	ssyncadd.s32 $0xFFFEC780  }
0x5a: {  	v10 =	vld [tilespmem:s18+$0x0]  }
0x5b: {  	v11 =	vld [tilespmem:s18+$0x1900]  }
0x5c: {  	v12 =	vld [tilespmem:s18+$0x1910]  }
0x5d: {  	v13 =	vld [tilespmem:s18+$0x10]  }
0x5e: {  	v14 =	vld [tilespmem:s18+$0x1920]  }
0x5f: {  	v15 =	vld [tilespmem:s18+$0x20]  }
0x60: {  	v16 =	vld [tilespmem:s18+$0x1930];
	v11 =	vadd.s32 v0, v11  }
0x61: {  	v17 =	vld [tilespmem:s18+$0x30]  }
0x62: {  	v18 =	vld [tilespmem:s18+$0x1940];
	v12 =	vadd.s32 v1, v12  }
0x63: {  	v57 =	vld [tilespmem:s18+$0x40]  }
0x64: {  	v6 =	vadd.f32 v6, v9;
	v56 =	vadd.s32 v2, v14;
	v10 =	vld.idx.msk [tilespmem:v10+s12+$0x0], $0xffff  }
0x65: {  	v11 =	vld.idx.msk [tilespmem:v11+s14+$0x0], $0xffff  }
0x66: {  	v6 =	vadd.f32 v7, v6;
	v58 =	vadd.s32 v3, v16;
	v7 =	vld.idx.msk [tilespmem:v13+s12+$0x0], $0xffff  }
0x67: {  	v12 =	vld.idx.msk [tilespmem:v12+s14+$0x0], $0xffff  }
0x68: {  	v5 =	vadd.f32 v5, v6;
	v59 =	vadd.s32 v4, v18;
	v6 =	vld.idx.msk [tilespmem:v15+s12+$0x0], $0xffff  }
0x69: {  	v9 =	vld.idx.msk [tilespmem:v56+s14+$0x0], $0xffff  }
0x6a: {  	v5 =	vadd.f32 v8, v5;
	v60 =	vld.idx.msk [tilespmem:v17+s12+$0x0], $0xffff;
	v10 =	vsub.f32 v10, v11  }
0x6b: {  	v61 =	vld.idx.msk [tilespmem:v58+s14+$0x0], $0xffff  }
0x6c: {  	v63 =	vld.idx.msk [tilespmem:v57+s12+$0x0], $0xffff;
	v7 =	vsub.f32 v7, v12;
	v5 =	vadd.f32 v10, v5  }
0x6d: {  	v62 =	vld.idx.msk [tilespmem:v59+s14+$0x0], $0xffff  }
0x6e: {  	v6 =	vsub.f32 v6, v9;
	v5 =	vadd.f32 v7, v5;
	_ =	sdelay $0x1  }
0x6f: {  	v7 =	vsub.f32 v60, v61;
	v5 =	vadd.f32 v6, v5;
	_ =	sdelay $0x1  }
0x70: {  	v6 =	vsub.f32 v63, v62;
	v5 =	vadd.f32 v7, v5;
	_ =	sdelay $0x1  }
0x71: {  	s17 =	sadd.s32 $0x1, s17;
	v5 =	vadd.f32 v6, v5  }
0x72: {  	p0 =	sne.s32 s17, s8  }
.Ltmp1:
0x73: {  	[tilespmem:$0x16E68] =	vst v5;
	(pc) =	sbr.rel @p0 .LBB2_1-.Ltmp1, $4  }
0x74: {  	[hbm4b:s7+s2] =	stream.linear.scatter [tilespmem:s16], [sflag:$0x2], $0x10, $0x38;
	[tilespmem:$0x16E78] =	vst v63  }
0x75: {  	_ =	swait.ge [sflag:s10], $0x10  }
0x76: {  	[sflag:s10] =	ssyncset.done $0x0  }
0x77: {  	[sflag:s10] =	ssyncadd.s32 $0xFFFFFFF0  }
0x78: {  	_ =	sfence.sel $0x180000  }
0x79: {  	[bflag:$0x0] =	sbarrier.arrive $0xFFFF  }
0x7a: {  	p0 =	sne.s32 s0, $0x0;
	_ =	strace $0x90000047  }
0x7b: {  	s0 =	sadd.s32 @!p0 $0x100000, s1;
	[bflag:$0x2] =	sbarrier.arrive $0xFFFF  }
0x7c: {  	[sflag:s0] =	ssyncadd.tile.s32 @!p0 $0x1;
	_ =	shalt  }
.Lfunc_end2:
_tile_overlayer_lowered:
.L_overlay_start_2:
0x7d: {  	(tag) =	ssettag $0x2  }
0x7e: {  	s0 =	rddreg [dreg:$0x0];
	s2 =	stileid.u32  }
0x7f: {  	s1 =	rddreg [dreg:$0x1];
	p0 =	sne.s32 s2, $0x0  }
0x80: {  	s3 =	rddreg [dreg:$0x2];
	[bflag:$0x3] =	sbarrier.arrive $0xFFFF;
	s2 =	simm.s32 @!p0 $0x1C02  }
0x81: {  	[timem:s3], [sflag:s2] =	dma.local @!p0 [hbm:s0], s1  }
0x82: {  	s0 =	simm.s32 @!p0 $0x2  }
0x83: {  	_ =	swait.ge @!p0 [sflag:s0], s1  }
0x84: {  	s1 =	ssub.s32 @!p0 $0x0, s1;
	[sflag:s0] =	ssyncset.done @!p0 $0x0  }
0x85: {  	[sflag:s0] =	ssyncadd.s32 @!p0 s1  }
0x86: {  	[bflag:$0x3] =	sbarrier.arrive $0xFFFF  }
0x87: {  	_ =	shalt  }

// kernel: sparse-core-data-format-call.cloned.1.call-start
scs
called_computation_lowered:
.L_overlay_start_0:
0x0: {  	s2 =	sld [smem:$0x3FD9]  }
0x1: {  	s3 =	sld [smem:$0x3FFE];
	_ =	sdelay $0x1  }
0x2: {  	s1 =	srdreg.scid  }
0x3: {  	s0 =	sand.u32 $0x1, s1  }
0x4: {  	s15 =	sshll.u32 s0, $0xA;
	s2 =	sadd.s32 s3, s2  }
0x5: {  	s2 =	sadd.s32 s2, s15  }
0x6: {  	[smem:$0x3FC5] =	sst s2  }
0x7: {  	_ = 	snop  }
0x8: {  	s2 =	sld [smem:$0x3FD0];
	_ =	sdelay $0x2  }
0x9: {  	s16 =	simm.s32 $0xA;
	s4 =	simm.s32 $0x10  }
0xa: {  	[smem:s4], [sflag:s16] =	dma.local [hbm:s2], $0x1  }
0xb: {  	_ =	swait.eq [sflag:s16], $0x1  }
0xc: {  	[sflag:s16] =	ssyncset.done $0x0  }
0xd: {  	[sflag:s16] =	ssyncadd.s32 $0xFFFFFFFF  }
0xe: {  	s17 =	sld [smem:$0x10];
	(tm) =	ssettm $0x1  }
0xf: {  	s18 =	sld [smem:$0x3FFB];
	_ =	sdelay $0x3  }
0x10: {  	_ =	strace s18  }
0x11: {  	s3 =	sld [smem:$0x3FFC];
	_ =	sdelay $0x3  }
0x12: {  	_ =	strace s3  }
0x13: {  	s3 =	sld [smem:$0x3FFD];
	_ =	sdelay $0x3  }
0x14: {  	_ =	strace s3  }
0x15: {  	_ =	strace $0x8FFFFFFF  }
0x16: {  	s19 =	sld [smem:$0x3FDB];
	_ =	sdelay $0x1  }
0x17: {  	s20 =	simm.s32 $_scs_section_size  }
0x18: {  	s5 =	simm.s32 $_size__tile_overlayer_lowered;
	s6 =	simm.s32 $_tile_overlayer_lowered  }
0x19: {  	s23 =	simm.s32 $0x1BFF;
	s22 =	sshll.u32 s6, $0x1;
	s3 =	sadd.s32 s20, s19  }
0x1a: {  	s7 =	simm.s32 $0x0;
	s21 =	sshll.u32 s5, $0x1;
	s5 =	sadd.s32 s22, s3  }
0x1b: {  	[timem:s7], [sflag:s23] =	dma.local [hbm:s5], s21  }
0x1c: {  	_ =	swait.ge [sflag:s23], s21  }
0x1d: {  	s4 =	ssub.s32 $0x0, s21;
	[sflag:s23] =	ssyncset.done $0x0  }
0x1e: {  	[sflag:s23] =	ssyncadd.s32 s4;
	_ =	sdelay $0x1  }
0x1f: {  	s24 =	simm.s32 $0x1B8B  }
0x20: {  	_ =	swait.ge [sflag:s24], $0x1  }
0x21: {  	[sflag:s24] =	ssyncset.done $0x0  }
0x22: {  	s26 =	simm.s32 $0x1B8E;
	s25 =	sld [smem:$0x3FFE];
	[sflag:s24] =	ssyncadd.s32 $0xFFFFFFFF  }
0x23: {  	s27 =	simm.s32 $execute0_lowered;
	[smem:$0x3FD2] =	sst s26  }
0x24: {  	s5 =	sshll.u32 s27, $0x1;
	_ =	strace $0x80000049;
	[dreg:$0x1] =	wrdreg $0xFFFFFFFF  }
0x25: {  	s28 =	simm.s32 $_size_execute0_lowered;
	s3 =	sadd.s32 s3, s5;
	[dreg:$0x0] =	wrdreg $0x0  }
0x26: {  	s5 =	sshll.u32 s28, $0x1;
	[dreg:$0x2] =	wrdreg s3  }
0x27: {  	[dreg:$0x3] =	wrdreg s5  }
0x28: {  	[dreg:$0x4] =	wrdreg $0xC0  }
0x29: {  	_ =	task [dreg:s7], $0x5FFFF  }
0x2a: {  	[dreg:$0x1] =	wrdreg $0xFFFFFFFF  }
0x2b: {  	[dreg:$0x0] =	wrdreg $0x60  }
0x2c: {  	[dreg:$0x2] =	wrdreg s25  }
0x2d: {  	[dreg:$0x3] =	wrdreg s17  }
0x2e: {  	[dreg:$0x4] =	wrdreg $0x9  }
0x2f: {  	_ =	task.clear_ibuf [dreg:s7], $0x5FFFF;
	_ =	strace $0x90000049  }
0x30: {  	s29 =	simm.s32 $0x9;
	_ =	strace $0x8000004B  }
0x31: {  	_ =	swait.ge [sflag:s29], $0x1  }
0x32: {  	[sflag:s29] =	ssyncadd.s32 $0xFFFFFFFF  }
0x33: {  	_ =	strace $0x9000004B  }
0x34: {  	_ =	sfence  }
0x35: {  	s30 =	sld [smem:$0x0];
	_ =	sdelay $0x2  }
0x36: {  	s31 =	sshll.u32 s1, $0xD;
	s1 =	sshrl.u32 s1, $0x2  }
0x37: {  	s3 =	sand.u32 $0x4000, s31;
	s1 =	sadd.s32 s1, s30  }
0x38: {  	s0 =	sor.u32 s3, s0;
	s1 =	sshll.u32 s1, $0x11  }
0x39: {  	s0 =	sor.u32 s1, s0  }
0x3a: {  	s0 =	sadd.s32 $0x8F2B, s0  }
0x3b: {  	[sflag:s0] =	ssyncadd.remote.s32 $0x1  }
0x3c: {  	_ =	sfence.sel $0xFFFF  }
0x3d: {  	[dreg:$0x0] =	wrdreg $0xFFFFFFFF;
	(pc) =	sbr.abs _section_cstart, $3  }
0x3e: {  	[dreg:$0x1] =	wrdreg $0xFFFFFFFF  }
0x3f: {  	_ =	task.clear_ibuf [dreg:s7], $0x2FFFF;
	_ =	strace $0x9FFFFFFF  }
0x40: {  	(tm) =	ssettm $0x7FFFFFFF  }
0x41: {  	_ =	shalt  }
tec
execute0_lowered:
.L_overlay_start_1:
0x0: {  	(tag) =	ssettag $0x1  }
0x1: {  	s0 =	srdreg.scid;
	s5 =	rddreg [dreg:$0x0]  }
0x2: {  	s3 =	rddreg [dreg:$0x1];
	s1 =	sshll.u32 s0, $0x4  }
0x3: {  	s7 =	simm.s32 $0x1;
	s0 =	stileid.u32;
	s1 =	sand.u32 $0x10, s1  }
0x4: {  	s8 =	simm.s32 $0x2;
	s15 =	simm.s32 $0x0;
	s1 =	sor.u32 s0, s1  }
0x5: {  	s14 =	simm.s32 $0x0;
	s9 =	simm.s32 $0x0;
	s2 =	sshll.u32 s1, $0x7  }
0x6: {  	s10 =	simm.s32 $0x0;
	s11 =	simm.s32 $0x0;
	s6 =	ssub.s32 $0x32000, s2  }
0x7: {  	s13 =	simm.s32 $0x0;
	s5 =	sadd.s32 $0x2C400, s5;
	s4 =	sand.u32 $0xF80, s6  }
.Ltmp0:
0x8: {  	s1 =	rddreg [dreg:$0x2];
	p0 =	sne.s32 s4, $0x0;
	(pc) =	sbr.rel .LBB1_1-.Ltmp0, $4  }
0x9: {  	_ =	strace $0x8000004A;
	s6 =	sshrl.u32 s6, $0xC;
	s7 =	simm.s32 @!p0 $0x0  }
0xa: {  	s12 =	smov.u32 s2;
	s4 =	simm.s32 $0x1;
	s6 =	sadd.s32 s7, s6  }
0xb: {  	[sflag:s4] =	ssyncpa.u1 $0x0;
	p0 =	por $0x0, $0x0;
	s6 =	sshll.u32 s6, $0x3  }
0xc: {  	[sflag:s8] =	ssyncpa.u1 $0x0;
	s8 =	simm.s32 $0x190000;
	s7 =	sor.u32 $0x1, s6  }
.LBB1_4:
0xd: {  	s21 =	sshrl.u32 s9, $0x3;
	s22 =	sshll.u32 s10, $0x3  }
0xe: {  	s20 =	sshra.s32 s20, $0x2;
	s23 =	sshll.u32 s9, $0x7;
	s24 =	sand.u32 $0x7F, s10  }
0xf: {  	p1 =	sgt.s32 s9, $0x368;
	s28 =	sshra.s32 s9, $0x1F;
	s21 =	smul.u32 $0x190000, s21  }
0x10: {  	s29 =	sshra.s32 s10, $0x1F;
	s22 =	sand.u32 $0xFFFFFC00, s22;
	s25 =	sand.u32 $0x380, s23  }
0x11: {  	s19 =	sadd.s32 s20, s19;
	s26 =	sor.u32 s24, s25;
	s21 =	sadd.s32 s22, s21  }
0x12: {  	s27 =	smulhi.u32 $0x51EB851F, s21;
	s20 =	sor.u32 s21, s26;
	s21 =	smov.u32 s9  }
0x13: {  	v5 =	vld [tilespmem:s17+$0xFFFFFFD0];
	[tilespmem:s18+$0x2040 ss:$0x81] =	vst.msk $0xffff, v4;
	s23 =	sand.u32 s28, s9;
	s24 =	sand.u32 s29, s10;
	s21 =	simm.s32 @!p1 $0x368  }
0x14: {  	v58 =	vld [tilespmem:s17+$0xFFFFFFE0];
	[tilespmem:s18+$0x2850 ss:$0x81] =	vst.msk $0xffff, v3;
	p1 =	sgt.s32 s10, $0x31F80;
	s30 =	smulhi.u32 $0x51EB851F, s20;
	s22 =	sshrl.u32 s27, $0x10  }
0x15: {  	v59 =	vld [tilespmem:s17+$0xFFFFFFF0];
	[tilespmem:s18+$0x3060 ss:$0x81] =	vst.msk $0xffff, v2;
	s21 =	ssub.s32 s21, s23;
	s23 =	smov.u32 s10;
	s25 =	smul.u32 $0x8313, s22  }
0x16: {  	v60 =	vld [tilespmem:s17+$0x0];
	[tilespmem:s18+$0x0 ss:$0x81] =	vst.msk $0xffff, v0;
	s23 =	simm.s32 @!p1 $0x31F80;
	s31 =	sadd.s32 $0xFFFFFC98, s21;
	s18 =	sshrl.u32 s30, $0x10  }
0x17: {  	v61 =	vld [tilespmem:s17+$0x10];
	[tilespmem:s19+$0x3870 ss:$0x81] =	vst.msk $0xffff, v1;
	s23 =	ssub.s32 s23, s24;
	s28 =	smul.u32 $0x32000, s18;
	s25 =	sshrl.u32 s25, $0x19  }
0x18: {  	v62 =	vld [tilespmem:s17+$0x20];
	[tilespmem:s19+$0x810 ss:$0x81] =	vst.msk $0xffff, v5;
	p1 =	sgt.s32 s31, $0x7F;
	s26 =	sadd.s32 $0xFFFCE080, s23;
	s27 =	smul.u32 $0x3E8, s25  }
0x19: {  	v63 =	vld [tilespmem:s17+$0xFFFFFFC0];
	[tilespmem:s19+$0x1020 ss:$0x81] =	vst.msk $0xffff, v58;
	s18 =	ssub.s32 $0x3E8, s21;
	s21 =	ssub.s32 $0x32000, s23;
	p2 =	sgt.s32 s26, $0x7F  }
0x1a: {  	[tilespmem:s19+$0x1830 ss:$0x81] =	vst.msk $0xffff, v59;
	s18 =	simm.s32 @p1 $0x0;
	s21 =	simm.s32 @p2 $0x0;
	s22 =	ssub.s32 s22, s27  }
0x1b: {  	[tilespmem:s19+$0x2040 ss:$0x81] =	vst.msk $0xffff, v60;
	s17 =	ssub.s32 s20, s28;
	s18 =	smul.u32 s21, s18;
	s29 =	sand.u32 $0xFFFF, s22  }
0x1c: {  	[tilespmem:s19+$0x2850 ss:$0x81] =	vst.msk $0xffff, v61;
	s30 =	sshrl.u32 s17, $0x3;
	s17 =	sand.u32 $0x7, s17;
	s20 =	smul.u32 $0x6400, s29  }
0x1d: {  	[tilespmem:s19+$0x3060 ss:$0x81] =	vst.msk $0xffff, v62;
	s21 =	sadd.s32 s3, s30;
	s17 =	sshll.u32 s17, $0x12  }
0x1e: {  	[tilespmem:s19+$0x0 ss:$0x81] =	vst.msk $0xffff, v63;
	s17 =	sor.u32 $0x400, s17;
	s18 =	sand.u32 $0x3FFFFFFF, s18;
	s31 =	sadd.s32 s20, s21  }
0x1f: {  	[hbm4b:s31+s17] =	stream.strided.scatter [tilespmem:s16], [sflag:$0x2], s18, s8, s17, $0x20;
	[tilespmem:$0x10100] =	vst v63  }
.LBB1_5:
0x20: {  	p1 =	slt.u32 s13, $0x2  }
0x21: {  	s17 =	smov.u32 s15;
	p2 =	sgt.s32 @!p1 s15, $0x368;
	s16 =	sshra.s32 @!p1 s15, $0x1F  }
0x22: {  	p3 =	sgt.s32 @!p1 s14, $0x31F80;
	s18 =	sshra.s32 @!p1 s14, $0x1F;
	p2 =	por !p2, p1  }
0x23: {  	s15 =	sand.u32 @!p1 s16, s15;
	p3 =	por !p3, p1;
	s16 =	smov.u32 s14  }
0x24: {  	s14 =	sand.u32 @!p1 s18, s14;
	s17 =	simm.s32 @p2 $0x368;
	s16 =	simm.s32 @p3 $0x31F80  }
0x25: {  	s15 =	ssub.s32 @!p1 s17, s15;
	s14 =	ssub.s32 @!p1 s16, s14  }
0x26: {  	s18 =	smov.u32 s12;
	s16 =	sadd.s32 @!p1 $0xFFFFFC98, s15;
	s17 =	sadd.s32 @!p1 $0xFFFCE080, s14  }
0x27: {  	s15 =	ssub.s32 @!p1 $0x3E8, s15;
	p2 =	sgt.s32 @!p1 s16, $0x7F;
	p3 =	sgt.s32 @!p1 s17, $0x7F  }
0x28: {  	s14 =	ssub.s32 @!p1 $0x32000, s14;
	p2 =	por !p2, p1;
	p3 =	por !p3, p1  }
0x29: {  	s16 =	sadd.s32 $0x80, s11;
	s15 =	simm.s32 @!p2 $0x0;
	s14 =	simm.s32 @!p3 $0x0  }
0x2a: {  	p2 =	sgt.s32 s16, $0x3E7;
	s14 =	smul.u32 @!p1 s14, s15;
	s15 =	sadd.s32 $0x1000, s12  }
0x2b: {  	s18 =	smov.u32 @p2 s15  }
0x2c: {  	s16 =	simm.s32 @p2 $0x0;
	p2 =	sgt.s32 s18, $0x31FFF  }
0x2d: {  	s18 =	smov.u32 @p2 s2;
	p2 =	sne.s32 s13, s7  }
.Ltmp1:
0x2e: {  	p0 =	por !p0, !p0;
	s17 =	simm.s32 @!p1 $0x2;
	(pc) =	sbr.rel @!p2 .LBB1_6-.Ltmp1, $4  }
0x2f: {  	s15 =	smov.u32 s9;
	s9 =	smov.u32 s11;
	s14 =	sand.u32 @!p1 $0x3FFFFFFF, s14  }
0x30: {  	s11 =	smov.u32 s16;
	_ =	swait.ge @!p1 [sflag:s17], s14;
	s19 =	ssub.s32 @!p1 $0x0, s14  }
0x31: {  	s14 =	smov.u32 s10;
	s13 =	sadd.s32 $0x1, s13;
	[sflag:s17] =	ssyncset.done @!p1 $0x0  }
0x32: {  	s10 =	smov.u32 s12;
	s12 =	smov.u32 s18;
	[sflag:s17] =	ssyncadd.s32 @!p1 s19  }
.LBB1_1:
0x33: {  	p1 =	sge.u32 s13, s6  }
0x34: {  	s16 =	sshll.u32 @!p1 s12, $0xA  }
0x35: {  	s17 =	sshll.u32 @!p1 s11, $0x3;
	s16 =	sand.u32 @!p1 $0xFFFFE000, s16  }
0x36: {  	s16 =	sadd.s32 @!p1 s16, s17  }
0x37: {  	s16 =	sshrl.u32 @!p1 s16, $0xA  }
0x38: {  	s17 =	smulhi.u32 @!p1 $0x28F5C3, s16  }
0x39: {  	s18 =	sxor.u32 @!p1 $0xFFFFFFFF, s13  }
0x3a: {  	s19 =	sshll.u32 @!p1 s12, $0x7;
	s20 =	sand.u32 @!p1 $0x78, s11;
	s17 =	sshrl.u32 @!p1 s17, $0x7  }
0x3b: {  	s18 =	sshll.u32 @!p1 s18, $0xE;
	s19 =	sand.u32 @!p1 $0x380, s19;
	s17 =	smul.u32 @!p1 $0x32000, s17  }
0x3c: {  	s31 =	sadd.s32 $0xFFFFFFFF, s13;
	s19 =	sor.u32 @!p1 s20, s19;
	s18 =	sand.u32 @!p1 $0x4000, s18  }
0x3d: {  	s16 =	ssub.s32 @!p1 s16, s17;
	s17 =	sshrl.u32 @!p1 s19, $0x3;
	s19 =	sand.u32 @!p1 $0x7, s11  }
0x3e: {  	s16 =	sshll.u32 @!p1 s16, $0x7;
	s17 =	sadd.s32 @!p1 s5, s17;
	s19 =	sshll.u32 @!p1 s19, $0x12  }
0x3f: {  	s16 =	sadd.s32 @!p1 s16, s17;
	s17 =	sor.u32 @!p1 $0x400, s19;
	s19 =	simm.s32 @!p1 $0x2000  }
0x40: {  	[tilespmem:s18], [sflag:$0x1] =	stream.strided.gather @!p1 [hbm4b:s16+s17], $0x4000, s19, s17, $0x38;
	[tilespmem:$0x10100] =	vst v63  }
0x41: {  	p1 =	sge.u32 s31, s6  }
.Ltmp2:
0x42: {  	_ = 	snop;
	(pc) =	sbr.rel @p1 .LBB1_5-.Ltmp2, $1  }
0x43: {  	_ =	sdelay $0x3  }
0x44: {  	s16 =	simm.s32 $0x1  }
0x45: {  	_ =	swait.ge [sflag:s4], $0x4000;
	s16 =	simm.s32 @!p0 $0x0  }
0x46: {  	[sflag:s4] =	ssyncset.done $0x0;
	s17 =	sshll.u32 s16, $0xE  }
0x47: {  	[sflag:s4] =	ssyncadd.s32 $0xFFFFC000;
	s17 =	sor.u32 $0x40, s17  }
0x48: {  	s16 =	smul.u32 $0x10200, s16;
	v0 =	vld [tilespmem:s17+$0x30]  }
0x49: {  	v1 =	vld [tilespmem:s17+$0xFFFFFFD0]  }
0x4a: {  	s16 =	sshrl.u32 s16, $0x2;
	v5 =	vld [tilespmem:s17+$0xFFFFFFE0]  }
0x4b: {  	v6 =	vld [tilespmem:s17+$0xFFFFFFF0];
	s19 =	sor.u32 $0x8000, s16  }
0x4c: {  	s31 =	sand.u32 $0x1, s13;
	v4 =	vld [tilespmem:s17+$0x0];
	s18 =	sadd.s32 $0x0, s19  }
0x4d: {  	v3 =	vld [tilespmem:s17+$0x10];
	s16 =	smul.u32 $0x10200, s31;
	[tilespmem:s18+$0x3870 ss:$0x81] =	vst.msk $0xffff, v0  }
0x4e: {  	v2 =	vld [tilespmem:s17+$0x20];
	[tilespmem:s18+$0x810 ss:$0x81] =	vst.msk $0xffff, v1  }
0x4f: {  	s16 =	sshrl.u32 s16, $0x2;
	v0 =	vld [tilespmem:s17+$0xFFFFFFC0];
	[tilespmem:s18+$0x1020 ss:$0x81] =	vst.msk $0xffff, v5;
	s17 =	sadd.s32 $0x80, s17  }
0x50: {  	s20 =	simm.s32 $0x4;
	s21 =	simm.s32 $0x8;
	s16 =	sor.u32 $0x8000, s16;
	[tilespmem:s18+$0x1830 ss:$0x81] =	vst.msk $0xffff, v6;
	v1 =	vld [tilespmem:s17+$0x30]  }
.LBB1_3:
0x51: {  	p1 =	sne.s32 s21, $0x1FC;
	v5 =	vld [tilespmem:s17+$0xFFFFFFD0];
	[tilespmem:s18+$0x2040 ss:$0x81] =	vst.msk $0xffff, v4  }
0x52: {  	v6 =	vld [tilespmem:s17+$0xFFFFFFE0];
	[tilespmem:s18+$0x2850 ss:$0x81] =	vst.msk $0xffff, v3  }
0x53: {  	s22 =	sshra.s32 s20, $0x2;
	s20 =	smov.u32 s21;
	v7 =	vld [tilespmem:s17+$0xFFFFFFF0];
	[tilespmem:s18+$0x3060 ss:$0x81] =	vst.msk $0xffff, v2  }
.Ltmp3:
0x54: {  	v4 =	vld [tilespmem:s17+$0x0];
	[tilespmem:s18+$0x0 ss:$0x81] =	vst.msk $0xffff, v0;
	s18 =	sadd.s32 s22, s19;
	(pc) =	sbr.rel @p1 .LBB1_3-.Ltmp3, $4  }
0x55: {  	v3 =	vld [tilespmem:s17+$0x10];
	[tilespmem:s18+$0x3870 ss:$0x81] =	vst.msk $0xffff, v1  }
0x56: {  	[tilespmem:s18+$0x810 ss:$0x81] =	vst.msk $0xffff, v5;
	v2 =	vld [tilespmem:s17+$0x20]  }
0x57: {  	v0 =	vld [tilespmem:s17+$0xFFFFFFC0];
	[tilespmem:s18+$0x1020 ss:$0x81] =	vst.msk $0xffff, v6;
	s17 =	sadd.s32 $0x80, s17  }
0x58: {  	s21 =	sadd.s32 $0x4, s21;
	v1 =	vld [tilespmem:s17+$0x30];
	[tilespmem:s18+$0x1830 ss:$0x81] =	vst.msk $0xffff, v7  }
.Ltmp4:
0x59: {  	_ = 	snop;
	(pc) =	sbr.rel .LBB1_4-.Ltmp4, $1  }
0x5a: {  	_ =	sdelay $0x3  }
.LBB1_6:
0x5b: {  	_ =	sfence.sel $0x180000  }
0x5c: {  	s2 =	simm.s32 $0x1;
	[bflag:$0x0] =	sbarrier.arrive $0xFFFF  }
0x5d: {  	s31 =	simm.s32 $0x2;
	[sflag:s2] =	ssyncpa.u1 $0x1  }
0x5e: {  	[sflag:s31] =	ssyncpa.u1 $0x1  }
0x5f: {  	p0 =	sne.s32 s0, $0x0;
	_ =	strace $0x9000004A  }
0x60: {  	s0 =	sadd.s32 @!p0 $0x100000, s1;
	[bflag:$0x2] =	sbarrier.arrive $0xFFFF  }
0x61: {  	[sflag:s0] =	ssyncadd.tile.s32 @!p0 $0x1;
	_ =	shalt  }
.Lfunc_end1:
_tile_overlayer_lowered:
.L_overlay_start_2:
0x62: {  	(tag) =	ssettag $0x2  }
0x63: {  	s0 =	rddreg [dreg:$0x0];
	s2 =	stileid.u32  }
0x64: {  	s1 =	rddreg [dreg:$0x1];
	p0 =	sne.s32 s2, $0x0  }
0x65: {  	s3 =	rddreg [dreg:$0x2];
	[bflag:$0x3] =	sbarrier.arrive $0xFFFF;
	s2 =	simm.s32 @!p0 $0x1C01  }
0x66: {  	[timem:s3], [sflag:s2] =	dma.local @!p0 [hbm:s0], s1  }
0x67: {  	s0 =	simm.s32 @!p0 $0x1  }
0x68: {  	_ =	swait.ge @!p0 [sflag:s0], s1  }
0x69: {  	s1 =	ssub.s32 @!p0 $0x0, s1;
	[sflag:s0] =	ssyncset.done @!p0 $0x0  }
0x6a: {  	[sflag:s0] =	ssyncadd.s32 @!p0 s1  }
0x6b: {  	[bflag:$0x3] =	sbarrier.arrive $0xFFFF  }
0x6c: {  	_ =	shalt  }

</sc_bundles>
